<compile_context>
chip_gen: v7x
topology: tpu7x:2x2x1
jax: 0.10.2.dev20260603
libtpu: 0.0.44.dev20260713+nightly
codegen_flags: <defaults>
</compile_context>

<pallas_src>
import functools

import jax
import jax.numpy as jnp
from jax import lax
from jax.experimental import pallas as pl
from jax.experimental.pallas import tpu as pltpu
from jax.experimental.pallas import tpu_sc as plsc

BATCH = 4096
SEQ = 50
EMBED_DIM = 128

NUM_CORES = 2
NUM_SUBCORES = 16
NUM_WORKERS = NUM_CORES * NUM_SUBCORES

TOTAL = BATCH * SEQ
ROWS_PER_WORKER = TOTAL // NUM_WORKERS
CHUNK = 80
NUM_CHUNKS = ROWS_PER_WORKER // CHUNK
NBUF = 8
LOOK = NBUF // 2
assert NUM_CHUNKS % NBUF == 0

_mesh = plsc.VectorSubcoreMesh(
    core_axis_name="c", subcore_axis_name="s",
    num_cores=NUM_CORES, num_subcores=NUM_SUBCORES,
)


@functools.partial(
    pl.kernel,
    out_type=jax.ShapeDtypeStruct((TOTAL, EMBED_DIM), jnp.float32),
    mesh=_mesh,
    scratch_types=[
        pltpu.VMEM((ROWS_PER_WORKER,), jnp.int32),
        [pltpu.VMEM((CHUNK, EMBED_DIM), jnp.float32) for _ in range(NBUF)],
        [pltpu.SemaphoreType.DMA for _ in range(NBUF)],
        [pltpu.SemaphoreType.DMA for _ in range(NBUF)],
    ],
)
def _embedding_gather(idx_hbm, table_hbm, out_hbm, idx_v, bufs, gsems, osems):
    wid = lax.axis_index("s") * NUM_CORES + lax.axis_index("c")
    base = wid * ROWS_PER_WORKER
    pltpu.sync_copy(idx_hbm.at[wid], idx_v)

    def start_gather(j, b):
        chunk_idx = idx_v.at[pl.ds(j * CHUNK, CHUNK)]
        pltpu.async_copy(table_hbm.at[chunk_idx], bufs[b], gsems[b])

    for j in range(LOOK):
        start_gather(j, j % NBUF)

    @pl.loop(0, NUM_CHUNKS, step=NBUF)
    def _outer(j0):
        for b in range(NBUF):
            j = j0 + b
            bn = (b + LOOK) % NBUF
            pltpu.make_async_copy(table_hbm.at[idx_v.at[pl.ds(0, CHUNK)]],
                                  bufs[b], gsems[b]).wait()
            pltpu.async_copy(
                bufs[b], out_hbm.at[pl.ds(base + j * CHUNK, CHUNK)], osems[b])

            @pl.when(j >= NBUF - LOOK)
            def _wait_prev_out():
                pltpu.make_async_copy(
                    bufs[bn], out_hbm.at[pl.ds(base, CHUNK)], osems[bn]).wait()

            @pl.when(j + LOOK < NUM_CHUNKS)
            def _next_gather():
                start_gather(j + LOOK, bn)

    for j in range(NUM_CHUNKS - (NBUF - LOOK), NUM_CHUNKS):
        pltpu.make_async_copy(
            bufs[j % NBUF], out_hbm.at[pl.ds(base, CHUNK)], osems[j % NBUF]).wait()


def kernel(news, table):
    idx = news.T.reshape(NUM_WORKERS, ROWS_PER_WORKER)
    out = _embedding_gather(idx, table)
    return out.reshape(SEQ, BATCH, EMBED_DIM).transpose(1, 0, 2)

# --- scband reference (transcript-rebuilt; emitter-appended) ---
"""Pipeline reference for scband-news-embedding-78417512890595 (READ-ONLY COPY).

The authoritative reference and input builder live on the scoring server;
editing this copy changes nothing except your own understanding.
"""

import jax, jax.numpy as jnp
import numpy as np

VOCAB = 100000
EMBED_DIM = 128
BATCH = 4096
SEQ = 50


def setup_inputs(seed: int = 0) -> dict:
    key = jax.random.key(seed)
    k1, k2 = jax.random.split(key)
    # 'news' token indices into the embedding table (padding_idx=0 allowed)
    news = jax.random.randint(k1, (BATCH, SEQ), 0, VOCAB, dtype=jnp.int32)
    # learned embedding table per init_kwargs (len(word_dict)=VOCAB, embed_dim=128)
    table = jax.random.normal(k2, (VOCAB, EMBED_DIM), dtype=jnp.float32) * 0.02
    # emulate padding_idx=0: row 0 is zeros at init
    table = table.at[0].set(0.0)
    return {"news": news, "table": table}


def reference(news, table):
    # NewsEmbedding.forward with embedding_type='init':
    #   embedding = self.embedding(input_feat['news'])  -> plain table gather
    embedding = jnp.take(table, news, axis=0)  # [BATCH, SEQ, EMBED_DIM]
    return embedding

if __name__ == "__main__":
    import jax
    _d = setup_inputs()
    print(jax.jit(kernel)(*tuple(_d.values())))

</pallas_src>

<mosaic_0001>
#map = affine_map<(d0, d1) -> (0, 0)>
module attributes {stable_mosaic.version = 14 : i64} {
  func.func @_embedding_gather(%arg0: i32, %arg1: i32, %arg2: memref<32x6400xi32, #tpu.memory_space<hbm>>, %arg3: memref<100000x128xf32, #tpu.memory_space<hbm>>, %arg4: memref<204800x128xf32, #tpu.memory_space<hbm>>, %arg5: memref<6400xi32, #tpu.memory_space<vmem>>, %arg6: memref<80x128xf32, #tpu.memory_space<vmem>>, %arg7: memref<80x128xf32, #tpu.memory_space<vmem>>, %arg8: memref<80x128xf32, #tpu.memory_space<vmem>>, %arg9: memref<80x128xf32, #tpu.memory_space<vmem>>, %arg10: memref<80x128xf32, #tpu.memory_space<vmem>>, %arg11: memref<80x128xf32, #tpu.memory_space<vmem>>, %arg12: memref<80x128xf32, #tpu.memory_space<vmem>>, %arg13: memref<80x128xf32, #tpu.memory_space<vmem>>, %arg14: memref<!tpu.dma_semaphore, #tpu.memory_space<semaphore_mem>>, %arg15: memref<!tpu.dma_semaphore, #tpu.memory_space<semaphore_mem>>, %arg16: memref<!tpu.dma_semaphore, #tpu.memory_space<semaphore_mem>>, %arg17: memref<!tpu.dma_semaphore, #tpu.memory_space<semaphore_mem>>, %arg18: memref<!tpu.dma_semaphore, #tpu.memory_space<semaphore_mem>>, %arg19: memref<!tpu.dma_semaphore, #tpu.memory_space<semaphore_mem>>, %arg20: memref<!tpu.dma_semaphore, #tpu.memory_space<semaphore_mem>>, %arg21: memref<!tpu.dma_semaphore, #tpu.memory_space<semaphore_mem>>, %arg22: memref<!tpu.dma_semaphore, #tpu.memory_space<semaphore_mem>>, %arg23: memref<!tpu.dma_semaphore, #tpu.memory_space<semaphore_mem>>, %arg24: memref<!tpu.dma_semaphore, #tpu.memory_space<semaphore_mem>>, %arg25: memref<!tpu.dma_semaphore, #tpu.memory_space<semaphore_mem>>, %arg26: memref<!tpu.dma_semaphore, #tpu.memory_space<semaphore_mem>>, %arg27: memref<!tpu.dma_semaphore, #tpu.memory_space<semaphore_mem>>, %arg28: memref<!tpu.dma_semaphore, #tpu.memory_space<semaphore_mem>>, %arg29: memref<!tpu.dma_semaphore, #tpu.memory_space<semaphore_mem>>) attributes {dimension_semantics = [#tpu.dimension_semantics<core_parallel>, #tpu.dimension_semantics<subcore_parallel>], iteration_bounds = array<i64: 2, 16>, scalar_prefetch = 0 : i64, scratch_operands = 25 : i64, tpu.core_type = #tpu.core_type<sc_vector_subcore>, window_params = [{transform_indices = #map}, {transform_indices = #map}, {transform_indices = #map}]} {
    %mul3A = arith.constant 2 : i32
    %mul3A_0 = arith.muli %arg1, %mul3A : i32
    %add3A = arith.addi %mul3A_0, %arg0 : i32
    %mul3A_1 = arith.constant 6400 : i32
    %mul3A_2 = arith.muli %add3A, %mul3A_1 : i32
    "tpu.region"() ({
      %run_scoped3A = tpu.sem_alloc : memref<!tpu.dma_semaphore, #tpu.memory_space<semaphore_mem>>
      %dma_start3A_41 = arith.constant 0 : i32
      %dma_start3A_42 = tpu.memref_slice %arg2[%add3A, %dma_start3A_41] : memref<32x6400xi32, #tpu.memory_space<hbm>> -> memref<1x6400xi32, #tpu.memory_space<hbm>>
      %dma_start3A_43 = tpu.memref_squeeze %dma_start3A_42 : memref<1x6400xi32, #tpu.memory_space<hbm>> -> memref<6400xi32, #tpu.memory_space<hbm>>
      %dma_start3A_44 = arith.constant 0 : i32
      %dma_start3A_45 = tpu.memref_slice %arg2[%add3A, %dma_start3A_44] : memref<32x6400xi32, #tpu.memory_space<hbm>> -> memref<1x6400xi32, #tpu.memory_space<hbm>>
      %dma_start3A_46 = tpu.memref_squeeze %dma_start3A_45 : memref<1x6400xi32, #tpu.memory_space<hbm>> -> memref<6400xi32, #tpu.memory_space<hbm>>
      tpu.enqueue_dma source(%dma_start3A_46 : memref<6400xi32, #tpu.memory_space<hbm>>) target(%arg5 : memref<6400xi32, #tpu.memory_space<vmem>>) target_semaphore(%run_scoped3A : memref<!tpu.dma_semaphore, #tpu.memory_space<semaphore_mem>>)
      %dma_wait3A_47 = arith.constant 0 : i32
      %dma_wait3A_48 = tpu.memref_slice %arg2[%add3A, %dma_wait3A_47] : memref<32x6400xi32, #tpu.memory_space<hbm>> -> memref<1x6400xi32, #tpu.memory_space<hbm>>
      %dma_wait3A_49 = tpu.memref_squeeze %dma_wait3A_48 : memref<1x6400xi32, #tpu.memory_space<hbm>> -> memref<6400xi32, #tpu.memory_space<hbm>>
      %dma_wait3A_50 = arith.constant 0 : i32
      %dma_wait3A_51 = tpu.memref_slice %arg2[%add3A, %dma_wait3A_50] : memref<32x6400xi32, #tpu.memory_space<hbm>> -> memref<1x6400xi32, #tpu.memory_space<hbm>>
      %dma_wait3A_52 = tpu.memref_squeeze %dma_wait3A_51 : memref<1x6400xi32, #tpu.memory_space<hbm>> -> memref<6400xi32, #tpu.memory_space<hbm>>
      tpu.wait_dma2 semaphore(%run_scoped3A : memref<!tpu.dma_semaphore, #tpu.memory_space<semaphore_mem>>) src(%dma_wait3A_52 : memref<6400xi32, #tpu.memory_space<hbm>>) dst(%arg5 : memref<6400xi32, #tpu.memory_space<vmem>>)
      tpu.yield
    }) : () -> ()
    %dma_start3A = arith.constant 0 : i32
    %dma_start3A_3 = tpu.memref_slice %arg5[%dma_start3A] : memref<6400xi32, #tpu.memory_space<vmem>> -> memref<80xi32, #tpu.memory_space<vmem>>
    %dma_start3A_4 = arith.constant 0 : i32
    %dma_start3A_5 = arith.constant 0 : i32
    %dma_start3A_6 = tpu.memref_slice %arg3[%dma_start3A_4, %dma_start3A_5] : memref<100000x128xf32, #tpu.memory_space<hbm>> -> memref<100000x128xf32, #tpu.memory_space<hbm>>
    tpu.enqueue_indirect_dma source(%dma_start3A_6 : memref<100000x128xf32, #tpu.memory_space<hbm>>) target(%arg6 : memref<80x128xf32, #tpu.memory_space<vmem>>) offsets(%dma_start3A_3 : memref<80xi32, #tpu.memory_space<vmem>>) semaphore(%arg14 : memref<!tpu.dma_semaphore, #tpu.memory_space<semaphore_mem>>)
    %dma_start3A_7 = arith.constant 80 : i32
    %dma_start3A_8 = tpu.memref_slice %arg5[%dma_start3A_7] : memref<6400xi32, #tpu.memory_space<vmem>> -> memref<80xi32, #tpu.memory_space<vmem>>
    %dma_start3A_9 = arith.constant 0 : i32
    %dma_start3A_10 = arith.constant 0 : i32
    %dma_start3A_11 = tpu.memref_slice %arg3[%dma_start3A_9, %dma_start3A_10] : memref<100000x128xf32, #tpu.memory_space<hbm>> -> memref<100000x128xf32, #tpu.memory_space<hbm>>
    tpu.enqueue_indirect_dma source(%dma_start3A_11 : memref<100000x128xf32, #tpu.memory_space<hbm>>) target(%arg7 : memref<80x128xf32, #tpu.memory_space<vmem>>) offsets(%dma_start3A_8 : memref<80xi32, #tpu.memory_space<vmem>>) semaphore(%arg15 : memref<!tpu.dma_semaphore, #tpu.memory_space<semaphore_mem>>)
    %dma_start3A_12 = arith.constant 160 : i32
    %dma_start3A_13 = tpu.memref_slice %arg5[%dma_start3A_12] : memref<6400xi32, #tpu.memory_space<vmem>> -> memref<80xi32, #tpu.memory_space<vmem>>
    %dma_start3A_14 = arith.constant 0 : i32
    %dma_start3A_15 = arith.constant 0 : i32
    %dma_start3A_16 = tpu.memref_slice %arg3[%dma_start3A_14, %dma_start3A_15] : memref<100000x128xf32, #tpu.memory_space<hbm>> -> memref<100000x128xf32, #tpu.memory_space<hbm>>
    tpu.enqueue_indirect_dma source(%dma_start3A_16 : memref<100000x128xf32, #tpu.memory_space<hbm>>) target(%arg8 : memref<80x128xf32, #tpu.memory_space<vmem>>) offsets(%dma_start3A_13 : memref<80xi32, #tpu.memory_space<vmem>>) semaphore(%arg16 : memref<!tpu.dma_semaphore, #tpu.memory_space<semaphore_mem>>)
    %dma_start3A_17 = arith.constant 240 : i32
    %dma_start3A_18 = tpu.memref_slice %arg5[%dma_start3A_17] : memref<6400xi32, #tpu.memory_space<vmem>> -> memref<80xi32, #tpu.memory_space<vmem>>
    %dma_start3A_19 = arith.constant 0 : i32
    %dma_start3A_20 = arith.constant 0 : i32
    %dma_start3A_21 = tpu.memref_slice %arg3[%dma_start3A_19, %dma_start3A_20] : memref<100000x128xf32, #tpu.memory_space<hbm>> -> memref<100000x128xf32, #tpu.memory_space<hbm>>
    tpu.enqueue_indirect_dma source(%dma_start3A_21 : memref<100000x128xf32, #tpu.memory_space<hbm>>) target(%arg9 : memref<80x128xf32, #tpu.memory_space<vmem>>) offsets(%dma_start3A_18 : memref<80xi32, #tpu.memory_space<vmem>>) semaphore(%arg17 : memref<!tpu.dma_semaphore, #tpu.memory_space<semaphore_mem>>)
    %scan3A = arith.constant 0 : i32
    %scan3A_22 = arith.constant 10 : i32
    %scan3A_23 = arith.addi %scan3A, %scan3A_22 : i32
    %scan3A_24 = arith.constant 1 : i32
    scf.for %scan3A_41 = %scan3A to %scan3A_23 step %scan3A_24  : i32 {
      %mul3A_42 = arith.constant 8 : i32
      %mul3A_43 = arith.muli %scan3A_41, %mul3A_42 : i32
      %add3A_44 = arith.constant 0 : i32
      %add3A_45 = arith.addi %add3A_44, %mul3A_43 : i32
      %add3A_46 = arith.constant 0 : i32
      %add3A_47 = arith.addi %add3A_45, %add3A_46 : i32
      %dma_wait3A_48 = arith.constant 0 : i32
      %dma_wait3A_49 = tpu.memref_slice %arg5[%dma_wait3A_48] : memref<6400xi32, #tpu.memory_space<vmem>> -> memref<80xi32, #tpu.memory_space<vmem>>
      %dma_wait3A_50 = arith.constant 0 : i32
      %dma_wait3A_51 = arith.constant 0 : i32
      %dma_wait3A_52 = tpu.memref_slice %arg3[%dma_wait3A_50, %dma_wait3A_51] : memref<100000x128xf32, #tpu.memory_space<hbm>> -> memref<100000x128xf32, #tpu.memory_space<hbm>>
      tpu.wait_indirect_dma semaphore(%arg14 : memref<!tpu.dma_semaphore, #tpu.memory_space<semaphore_mem>>) src(%dma_wait3A_52 : memref<100000x128xf32, #tpu.memory_space<hbm>>) dst(%arg6 : memref<80x128xf32, #tpu.memory_space<vmem>>)
      %mul3A_53 = arith.constant 80 : i32
      %mul3A_54 = arith.muli %add3A_47, %mul3A_53 : i32
      %add3A_55 = arith.addi %mul3A_2, %mul3A_54 : i32
      %dma_start3A_56 = arith.constant 0 : i32
      %dma_start3A_57 = tpu.memref_slice %arg4[%add3A_55, %dma_start3A_56] : memref<204800x128xf32, #tpu.memory_space<hbm>> -> memref<80x128xf32, #tpu.memory_space<hbm>>
      %dma_start3A_58 = arith.constant 0 : i32
      %dma_start3A_59 = tpu.memref_slice %arg4[%add3A_55, %dma_start3A_58] : memref<204800x128xf32, #tpu.memory_space<hbm>> -> memref<80x128xf32, #tpu.memory_space<hbm>>
      tpu.enqueue_dma source(%arg6 : memref<80x128xf32, #tpu.memory_space<vmem>>) target(%dma_start3A_59 : memref<80x128xf32, #tpu.memory_space<hbm>>) target_semaphore(%arg22 : memref<!tpu.dma_semaphore, #tpu.memory_space<semaphore_mem>>)
      %ge3A = arith.constant 4 : i32
      %ge3A_60 = arith.cmpi sge, %add3A_47, %ge3A : i32
      %convert_element_type3A = arith.extui %ge3A_60 : i1 to i32
      %cond3A = arith.constant 0 : i32
      %cond3A_61 = arith.cmpi ne, %convert_element_type3A, %cond3A : i32
      scf.if %cond3A_61 {
        %dma_wait3A_250 = arith.constant 0 : i32
        %dma_wait3A_251 = tpu.memref_slice %arg4[%mul3A_2, %dma_wait3A_250] : memref<204800x128xf32, #tpu.memory_space<hbm>> -> memref<80x128xf32, #tpu.memory_space<hbm>>
        %dma_wait3A_252 = arith.constant 0 : i32
        %dma_wait3A_253 = tpu.memref_slice %arg4[%mul3A_2, %dma_wait3A_252] : memref<204800x128xf32, #tpu.memory_space<hbm>> -> memref<80x128xf32, #tpu.memory_space<hbm>>
        tpu.wait_dma2 semaphore(%arg26 : memref<!tpu.dma_semaphore, #tpu.memory_space<semaphore_mem>>) src(%arg10 : memref<80x128xf32, #tpu.memory_space<vmem>>) dst(%dma_wait3A_253 : memref<80x128xf32, #tpu.memory_space<hbm>>)
      } else {
      }
      %add3A_62 = arith.constant 4 : i32
      %add3A_63 = arith.addi %add3A_47, %add3A_62 : i32
      %lt3A = arith.constant 80 : i32
      %lt3A_64 = arith.cmpi slt, %add3A_63, %lt3A : i32
      %convert_element_type3A_65 = arith.extui %lt3A_64 : i1 to i32
      %cond3A_66 = arith.constant 0 : i32
      %cond3A_67 = arith.cmpi ne, %convert_element_type3A_65, %cond3A_66 : i32
      scf.if %cond3A_67 {
        %add3A_250 = arith.constant 4 : i32
        %add3A_251 = arith.addi %add3A_47, %add3A_250 : i32
        %mul3A_252 = arith.constant 80 : i32
        %mul3A_253 = arith.muli %add3A_251, %mul3A_252 : i32
        %dma_start3A_254 = tpu.memref_slice %arg5[%mul3A_253] : memref<6400xi32, #tpu.memory_space<vmem>> -> memref<80xi32, #tpu.memory_space<vmem>>
        %dma_start3A_255 = arith.constant 0 : i32
        %dma_start3A_256 = arith.constant 0 : i32
        %dma_start3A_257 = tpu.memref_slice %arg3[%dma_start3A_255, %dma_start3A_256] : memref<100000x128xf32, #tpu.memory_space<hbm>> -> memref<100000x128xf32, #tpu.memory_space<hbm>>
        tpu.enqueue_indirect_dma source(%dma_start3A_257 : memref<100000x128xf32, #tpu.memory_space<hbm>>) target(%arg10 : memref<80x128xf32, #tpu.memory_space<vmem>>) offsets(%dma_start3A_254 : memref<80xi32, #tpu.memory_space<vmem>>) semaphore(%arg18 : memref<!tpu.dma_semaphore, #tpu.memory_space<semaphore_mem>>)
      } else {
      }
      %add3A_68 = arith.constant 1 : i32
      %add3A_69 = arith.addi %add3A_45, %add3A_68 : i32
      %dma_wait3A_70 = arith.constant 0 : i32
      %dma_wait3A_71 = tpu.memref_slice %arg5[%dma_wait3A_70] : memref<6400xi32, #tpu.memory_space<vmem>> -> memref<80xi32, #tpu.memory_space<vmem>>
      %dma_wait3A_72 = arith.constant 0 : i32
      %dma_wait3A_73 = arith.constant 0 : i32
      %dma_wait3A_74 = tpu.memref_slice %arg3[%dma_wait3A_72, %dma_wait3A_73] : memref<100000x128xf32, #tpu.memory_space<hbm>> -> memref<100000x128xf32, #tpu.memory_space<hbm>>
      tpu.wait_indirect_dma semaphore(%arg15 : memref<!tpu.dma_semaphore, #tpu.memory_space<semaphore_mem>>) src(%dma_wait3A_74 : memref<100000x128xf32, #tpu.memory_space<hbm>>) dst(%arg7 : memref<80x128xf32, #tpu.memory_space<vmem>>)
      %mul3A_75 = arith.constant 80 : i32
      %mul3A_76 = arith.muli %add3A_69, %mul3A_75 : i32
      %add3A_77 = arith.addi %mul3A_2, %mul3A_76 : i32
      %dma_start3A_78 = arith.constant 0 : i32
      %dma_start3A_79 = tpu.memref_slice %arg4[%add3A_77, %dma_start3A_78] : memref<204800x128xf32, #tpu.memory_space<hbm>> -> memref<80x128xf32, #tpu.memory_space<hbm>>
      %dma_start3A_80 = arith.constant 0 : i32
      %dma_start3A_81 = tpu.memref_slice %arg4[%add3A_77, %dma_start3A_80] : memref<204800x128xf32, #tpu.memory_space<hbm>> -> memref<80x128xf32, #tpu.memory_space<hbm>>
      tpu.enqueue_dma source(%arg7 : memref<80x128xf32, #tpu.memory_space<vmem>>) target(%dma_start3A_81 : memref<80x128xf32, #tpu.memory_space<hbm>>) target_semaphore(%arg23 : memref<!tpu.dma_semaphore, #tpu.memory_space<semaphore_mem>>)
      %ge3A_82 = arith.constant 4 : i32
      %ge3A_83 = arith.cmpi sge, %add3A_69, %ge3A_82 : i32
      %convert_element_type3A_84 = arith.extui %ge3A_83 : i1 to i32
      %cond3A_85 = arith.constant 0 : i32
      %cond3A_86 = arith.cmpi ne, %convert_element_type3A_84, %cond3A_85 : i32
      scf.if %cond3A_86 {
        %dma_wait3A_250 = arith.constant 0 : i32
        %dma_wait3A_251 = tpu.memref_slice %arg4[%mul3A_2, %dma_wait3A_250] : memref<204800x128xf32, #tpu.memory_space<hbm>> -> memref<80x128xf32, #tpu.memory_space<hbm>>
        %dma_wait3A_252 = arith.constant 0 : i32
        %dma_wait3A_253 = tpu.memref_slice %arg4[%mul3A_2, %dma_wait3A_252] : memref<204800x128xf32, #tpu.memory_space<hbm>> -> memref<80x128xf32, #tpu.memory_space<hbm>>
        tpu.wait_dma2 semaphore(%arg27 : memref<!tpu.dma_semaphore, #tpu.memory_space<semaphore_mem>>) src(%arg11 : memref<80x128xf32, #tpu.memory_space<vmem>>) dst(%dma_wait3A_253 : memref<80x128xf32, #tpu.memory_space<hbm>>)
      } else {
      }
      %add3A_87 = arith.constant 4 : i32
      %add3A_88 = arith.addi %add3A_69, %add3A_87 : i32
      %lt3A_89 = arith.constant 80 : i32
      %lt3A_90 = arith.cmpi slt, %add3A_88, %lt3A_89 : i32
      %convert_element_type3A_91 = arith.extui %lt3A_90 : i1 to i32
      %cond3A_92 = arith.constant 0 : i32
      %cond3A_93 = arith.cmpi ne, %convert_element_type3A_91, %cond3A_92 : i32
      scf.if %cond3A_93 {
        %add3A_250 = arith.constant 4 : i32
        %add3A_251 = arith.addi %add3A_69, %add3A_250 : i32
        %mul3A_252 = arith.constant 80 : i32
        %mul3A_253 = arith.muli %add3A_251, %mul3A_252 : i32
        %dma_start3A_254 = tpu.memref_slice %arg5[%mul3A_253] : memref<6400xi32, #tpu.memory_space<vmem>> -> memref<80xi32, #tpu.memory_space<vmem>>
        %dma_start3A_255 = arith.constant 0 : i32
        %dma_start3A_256 = arith.constant 0 : i32
        %dma_start3A_257 = tpu.memref_slice %arg3[%dma_start3A_255, %dma_start3A_256] : memref<100000x128xf32, #tpu.memory_space<hbm>> -> memref<100000x128xf32, #tpu.memory_space<hbm>>
        tpu.enqueue_indirect_dma source(%dma_start3A_257 : memref<100000x128xf32, #tpu.memory_space<hbm>>) target(%arg11 : memref<80x128xf32, #tpu.memory_space<vmem>>) offsets(%dma_start3A_254 : memref<80xi32, #tpu.memory_space<vmem>>) semaphore(%arg19 : memref<!tpu.dma_semaphore, #tpu.memory_space<semaphore_mem>>)
      } else {
      }
      %add3A_94 = arith.constant 2 : i32
      %add3A_95 = arith.addi %add3A_45, %add3A_94 : i32
      %dma_wait3A_96 = arith.constant 0 : i32
      %dma_wait3A_97 = tpu.memref_slice %arg5[%dma_wait3A_96] : memref<6400xi32, #tpu.memory_space<vmem>> -> memref<80xi32, #tpu.memory_space<vmem>>
      %dma_wait3A_98 = arith.constant 0 : i32
      %dma_wait3A_99 = arith.constant 0 : i32
      %dma_wait3A_100 = tpu.memref_slice %arg3[%dma_wait3A_98, %dma_wait3A_99] : memref<100000x128xf32, #tpu.memory_space<hbm>> -> memref<100000x128xf32, #tpu.memory_space<hbm>>
      tpu.wait_indirect_dma semaphore(%arg16 : memref<!tpu.dma_semaphore, #tpu.memory_space<semaphore_mem>>) src(%dma_wait3A_100 : memref<100000x128xf32, #tpu.memory_space<hbm>>) dst(%arg8 : memref<80x128xf32, #tpu.memory_space<vmem>>)
      %mul3A_101 = arith.constant 80 : i32
      %mul3A_102 = arith.muli %add3A_95, %mul3A_101 : i32
      %add3A_103 = arith.addi %mul3A_2, %mul3A_102 : i32
      %dma_start3A_104 = arith.constant 0 : i32
      %dma_start3A_105 = tpu.memref_slice %arg4[%add3A_103, %dma_start3A_104] : memref<204800x128xf32, #tpu.memory_space<hbm>> -> memref<80x128xf32, #tpu.memory_space<hbm>>
      %dma_start3A_106 = arith.constant 0 : i32
      %dma_start3A_107 = tpu.memref_slice %arg4[%add3A_103, %dma_start3A_106] : memref<204800x128xf32, #tpu.memory_space<hbm>> -> memref<80x128xf32, #tpu.memory_space<hbm>>
      tpu.enqueue_dma source(%arg8 : memref<80x128xf32, #tpu.memory_space<vmem>>) target(%dma_start3A_107 : memref<80x128xf32, #tpu.memory_space<hbm>>) target_semaphore(%arg24 : memref<!tpu.dma_semaphore, #tpu.memory_space<semaphore_mem>>)
      %ge3A_108 = arith.constant 4 : i32
      %ge3A_109 = arith.cmpi sge, %add3A_95, %ge3A_108 : i32
      %convert_element_type3A_110 = arith.extui %ge3A_109 : i1 to i32
      %cond3A_111 = arith.constant 0 : i32
      %cond3A_112 = arith.cmpi ne, %convert_element_type3A_110, %cond3A_111 : i32
      scf.if %cond3A_112 {
        %dma_wait3A_250 = arith.constant 0 : i32
        %dma_wait3A_251 = tpu.memref_slice %arg4[%mul3A_2, %dma_wait3A_250] : memref<204800x128xf32, #tpu.memory_space<hbm>> -> memref<80x128xf32, #tpu.memory_space<hbm>>
        %dma_wait3A_252 = arith.constant 0 : i32
        %dma_wait3A_253 = tpu.memref_slice %arg4[%mul3A_2, %dma_wait3A_252] : memref<204800x128xf32, #tpu.memory_space<hbm>> -> memref<80x128xf32, #tpu.memory_space<hbm>>
        tpu.wait_dma2 semaphore(%arg28 : memref<!tpu.dma_semaphore, #tpu.memory_space<semaphore_mem>>) src(%arg12 : memref<80x128xf32, #tpu.memory_space<vmem>>) dst(%dma_wait3A_253 : memref<80x128xf32, #tpu.memory_space<hbm>>)
      } else {
      }
      %add3A_113 = arith.constant 4 : i32
      %add3A_114 = arith.addi %add3A_95, %add3A_113 : i32
      %lt3A_115 = arith.constant 80 : i32
      %lt3A_116 = arith.cmpi slt, %add3A_114, %lt3A_115 : i32
      %convert_element_type3A_117 = arith.extui %lt3A_116 : i1 to i32
      %cond3A_118 = arith.constant 0 : i32
      %cond3A_119 = arith.cmpi ne, %convert_element_type3A_117, %cond3A_118 : i32
      scf.if %cond3A_119 {
        %add3A_250 = arith.constant 4 : i32
        %add3A_251 = arith.addi %add3A_95, %add3A_250 : i32
        %mul3A_252 = arith.constant 80 : i32
        %mul3A_253 = arith.muli %add3A_251, %mul3A_252 : i32
        %dma_start3A_254 = tpu.memref_slice %arg5[%mul3A_253] : memref<6400xi32, #tpu.memory_space<vmem>> -> memref<80xi32, #tpu.memory_space<vmem>>
        %dma_start3A_255 = arith.constant 0 : i32
        %dma_start3A_256 = arith.constant 0 : i32
        %dma_start3A_257 = tpu.memref_slice %arg3[%dma_start3A_255, %dma_start3A_256] : memref<100000x128xf32, #tpu.memory_space<hbm>> -> memref<100000x128xf32, #tpu.memory_space<hbm>>
        tpu.enqueue_indirect_dma source(%dma_start3A_257 : memref<100000x128xf32, #tpu.memory_space<hbm>>) target(%arg12 : memref<80x128xf32, #tpu.memory_space<vmem>>) offsets(%dma_start3A_254 : memref<80xi32, #tpu.memory_space<vmem>>) semaphore(%arg20 : memref<!tpu.dma_semaphore, #tpu.memory_space<semaphore_mem>>)
      } else {
      }
      %add3A_120 = arith.constant 3 : i32
      %add3A_121 = arith.addi %add3A_45, %add3A_120 : i32
      %dma_wait3A_122 = arith.constant 0 : i32
      %dma_wait3A_123 = tpu.memref_slice %arg5[%dma_wait3A_122] : memref<6400xi32, #tpu.memory_space<vmem>> -> memref<80xi32, #tpu.memory_space<vmem>>
      %dma_wait3A_124 = arith.constant 0 : i32
      %dma_wait3A_125 = arith.constant 0 : i32
      %dma_wait3A_126 = tpu.memref_slice %arg3[%dma_wait3A_124, %dma_wait3A_125] : memref<100000x128xf32, #tpu.memory_space<hbm>> -> memref<100000x128xf32, #tpu.memory_space<hbm>>
      tpu.wait_indirect_dma semaphore(%arg17 : memref<!tpu.dma_semaphore, #tpu.memory_space<semaphore_mem>>) src(%dma_wait3A_126 : memref<100000x128xf32, #tpu.memory_space<hbm>>) dst(%arg9 : memref<80x128xf32, #tpu.memory_space<vmem>>)
      %mul3A_127 = arith.constant 80 : i32
      %mul3A_128 = arith.muli %add3A_121, %mul3A_127 : i32
      %add3A_129 = arith.addi %mul3A_2, %mul3A_128 : i32
      %dma_start3A_130 = arith.constant 0 : i32
      %dma_start3A_131 = tpu.memref_slice %arg4[%add3A_129, %dma_start3A_130] : memref<204800x128xf32, #tpu.memory_space<hbm>> -> memref<80x128xf32, #tpu.memory_space<hbm>>
      %dma_start3A_132 = arith.constant 0 : i32
      %dma_start3A_133 = tpu.memref_slice %arg4[%add3A_129, %dma_start3A_132] : memref<204800x128xf32, #tpu.memory_space<hbm>> -> memref<80x128xf32, #tpu.memory_space<hbm>>
      tpu.enqueue_dma source(%arg9 : memref<80x128xf32, #tpu.memory_space<vmem>>) target(%dma_start3A_133 : memref<80x128xf32, #tpu.memory_space<hbm>>) target_semaphore(%arg25 : memref<!tpu.dma_semaphore, #tpu.memory_space<semaphore_mem>>)
      %ge3A_134 = arith.constant 4 : i32
      %ge3A_135 = arith.cmpi sge, %add3A_121, %ge3A_134 : i32
      %convert_element_type3A_136 = arith.extui %ge3A_135 : i1 to i32
      %cond3A_137 = arith.constant 0 : i32
      %cond3A_138 = arith.cmpi ne, %convert_element_type3A_136, %cond3A_137 : i32
      scf.if %cond3A_138 {
        %dma_wait3A_250 = arith.constant 0 : i32
        %dma_wait3A_251 = tpu.memref_slice %arg4[%mul3A_2, %dma_wait3A_250] : memref<204800x128xf32, #tpu.memory_space<hbm>> -> memref<80x128xf32, #tpu.memory_space<hbm>>
        %dma_wait3A_252 = arith.constant 0 : i32
        %dma_wait3A_253 = tpu.memref_slice %arg4[%mul3A_2, %dma_wait3A_252] : memref<204800x128xf32, #tpu.memory_space<hbm>> -> memref<80x128xf32, #tpu.memory_space<hbm>>
        tpu.wait_dma2 semaphore(%arg29 : memref<!tpu.dma_semaphore, #tpu.memory_space<semaphore_mem>>) src(%arg13 : memref<80x128xf32, #tpu.memory_space<vmem>>) dst(%dma_wait3A_253 : memref<80x128xf32, #tpu.memory_space<hbm>>)
      } else {
      }
      %add3A_139 = arith.constant 4 : i32
      %add3A_140 = arith.addi %add3A_121, %add3A_139 : i32
      %lt3A_141 = arith.constant 80 : i32
      %lt3A_142 = arith.cmpi slt, %add3A_140, %lt3A_141 : i32
      %convert_element_type3A_143 = arith.extui %lt3A_142 : i1 to i32
      %cond3A_144 = arith.constant 0 : i32
      %cond3A_145 = arith.cmpi ne, %convert_element_type3A_143, %cond3A_144 : i32
      scf.if %cond3A_145 {
        %add3A_250 = arith.constant 4 : i32
        %add3A_251 = arith.addi %add3A_121, %add3A_250 : i32
        %mul3A_252 = arith.constant 80 : i32
        %mul3A_253 = arith.muli %add3A_251, %mul3A_252 : i32
        %dma_start3A_254 = tpu.memref_slice %arg5[%mul3A_253] : memref<6400xi32, #tpu.memory_space<vmem>> -> memref<80xi32, #tpu.memory_space<vmem>>
        %dma_start3A_255 = arith.constant 0 : i32
        %dma_start3A_256 = arith.constant 0 : i32
        %dma_start3A_257 = tpu.memref_slice %arg3[%dma_start3A_255, %dma_start3A_256] : memref<100000x128xf32, #tpu.memory_space<hbm>> -> memref<100000x128xf32, #tpu.memory_space<hbm>>
        tpu.enqueue_indirect_dma source(%dma_start3A_257 : memref<100000x128xf32, #tpu.memory_space<hbm>>) target(%arg13 : memref<80x128xf32, #tpu.memory_space<vmem>>) offsets(%dma_start3A_254 : memref<80xi32, #tpu.memory_space<vmem>>) semaphore(%arg21 : memref<!tpu.dma_semaphore, #tpu.memory_space<semaphore_mem>>)
      } else {
      }
      %add3A_146 = arith.constant 4 : i32
      %add3A_147 = arith.addi %add3A_45, %add3A_146 : i32
      %dma_wait3A_148 = arith.constant 0 : i32
      %dma_wait3A_149 = tpu.memref_slice %arg5[%dma_wait3A_148] : memref<6400xi32, #tpu.memory_space<vmem>> -> memref<80xi32, #tpu.memory_space<vmem>>
      %dma_wait3A_150 = arith.constant 0 : i32
      %dma_wait3A_151 = arith.constant 0 : i32
      %dma_wait3A_152 = tpu.memref_slice %arg3[%dma_wait3A_150, %dma_wait3A_151] : memref<100000x128xf32, #tpu.memory_space<hbm>> -> memref<100000x128xf32, #tpu.memory_space<hbm>>
      tpu.wait_indirect_dma semaphore(%arg18 : memref<!tpu.dma_semaphore, #tpu.memory_space<semaphore_mem>>) src(%dma_wait3A_152 : memref<100000x128xf32, #tpu.memory_space<hbm>>) dst(%arg10 : memref<80x128xf32, #tpu.memory_space<vmem>>)
      %mul3A_153 = arith.constant 80 : i32
      %mul3A_154 = arith.muli %add3A_147, %mul3A_153 : i32
      %add3A_155 = arith.addi %mul3A_2, %mul3A_154 : i32
      %dma_start3A_156 = arith.constant 0 : i32
      %dma_start3A_157 = tpu.memref_slice %arg4[%add3A_155, %dma_start3A_156] : memref<204800x128xf32, #tpu.memory_space<hbm>> -> memref<80x128xf32, #tpu.memory_space<hbm>>
      %dma_start3A_158 = arith.constant 0 : i32
      %dma_start3A_159 = tpu.memref_slice %arg4[%add3A_155, %dma_start3A_158] : memref<204800x128xf32, #tpu.memory_space<hbm>> -> memref<80x128xf32, #tpu.memory_space<hbm>>
      tpu.enqueue_dma source(%arg10 : memref<80x128xf32, #tpu.memory_space<vmem>>) target(%dma_start3A_159 : memref<80x128xf32, #tpu.memory_space<hbm>>) target_semaphore(%arg26 : memref<!tpu.dma_semaphore, #tpu.memory_space<semaphore_mem>>)
      %ge3A_160 = arith.constant 4 : i32
      %ge3A_161 = arith.cmpi sge, %add3A_147, %ge3A_160 : i32
      %convert_element_type3A_162 = arith.extui %ge3A_161 : i1 to i32
      %cond3A_163 = arith.constant 0 : i32
      %cond3A_164 = arith.cmpi ne, %convert_element_type3A_162, %cond3A_163 : i32
      scf.if %cond3A_164 {
        %dma_wait3A_250 = arith.constant 0 : i32
        %dma_wait3A_251 = tpu.memref_slice %arg4[%mul3A_2, %dma_wait3A_250] : memref<204800x128xf32, #tpu.memory_space<hbm>> -> memref<80x128xf32, #tpu.memory_space<hbm>>
        %dma_wait3A_252 = arith.constant 0 : i32
        %dma_wait3A_253 = tpu.memref_slice %arg4[%mul3A_2, %dma_wait3A_252] : memref<204800x128xf32, #tpu.memory_space<hbm>> -> memref<80x128xf32, #tpu.memory_space<hbm>>
        tpu.wait_dma2 semaphore(%arg22 : memref<!tpu.dma_semaphore, #tpu.memory_space<semaphore_mem>>) src(%arg6 : memref<80x128xf32, #tpu.memory_space<vmem>>) dst(%dma_wait3A_253 : memref<80x128xf32, #tpu.memory_space<hbm>>)
      } else {
      }
      %add3A_165 = arith.constant 4 : i32
      %add3A_166 = arith.addi %add3A_147, %add3A_165 : i32
      %lt3A_167 = arith.constant 80 : i32
      %lt3A_168 = arith.cmpi slt, %add3A_166, %lt3A_167 : i32
      %convert_element_type3A_169 = arith.extui %lt3A_168 : i1 to i32
      %cond3A_170 = arith.constant 0 : i32
      %cond3A_171 = arith.cmpi ne, %convert_element_type3A_169, %cond3A_170 : i32
      scf.if %cond3A_171 {
        %add3A_250 = arith.constant 4 : i32
        %add3A_251 = arith.addi %add3A_147, %add3A_250 : i32
        %mul3A_252 = arith.constant 80 : i32
        %mul3A_253 = arith.muli %add3A_251, %mul3A_252 : i32
        %dma_start3A_254 = tpu.memref_slice %arg5[%mul3A_253] : memref<6400xi32, #tpu.memory_space<vmem>> -> memref<80xi32, #tpu.memory_space<vmem>>
        %dma_start3A_255 = arith.constant 0 : i32
        %dma_start3A_256 = arith.constant 0 : i32
        %dma_start3A_257 = tpu.memref_slice %arg3[%dma_start3A_255, %dma_start3A_256] : memref<100000x128xf32, #tpu.memory_space<hbm>> -> memref<100000x128xf32, #tpu.memory_space<hbm>>
        tpu.enqueue_indirect_dma source(%dma_start3A_257 : memref<100000x128xf32, #tpu.memory_space<hbm>>) target(%arg6 : memref<80x128xf32, #tpu.memory_space<vmem>>) offsets(%dma_start3A_254 : memref<80xi32, #tpu.memory_space<vmem>>) semaphore(%arg14 : memref<!tpu.dma_semaphore, #tpu.memory_space<semaphore_mem>>)
      } else {
      }
      %add3A_172 = arith.constant 5 : i32
      %add3A_173 = arith.addi %add3A_45, %add3A_172 : i32
      %dma_wait3A_174 = arith.constant 0 : i32
      %dma_wait3A_175 = tpu.memref_slice %arg5[%dma_wait3A_174] : memref<6400xi32, #tpu.memory_space<vmem>> -> memref<80xi32, #tpu.memory_space<vmem>>
      %dma_wait3A_176 = arith.constant 0 : i32
      %dma_wait3A_177 = arith.constant 0 : i32
      %dma_wait3A_178 = tpu.memref_slice %arg3[%dma_wait3A_176, %dma_wait3A_177] : memref<100000x128xf32, #tpu.memory_space<hbm>> -> memref<100000x128xf32, #tpu.memory_space<hbm>>
      tpu.wait_indirect_dma semaphore(%arg19 : memref<!tpu.dma_semaphore, #tpu.memory_space<semaphore_mem>>) src(%dma_wait3A_178 : memref<100000x128xf32, #tpu.memory_space<hbm>>) dst(%arg11 : memref<80x128xf32, #tpu.memory_space<vmem>>)
      %mul3A_179 = arith.constant 80 : i32
      %mul3A_180 = arith.muli %add3A_173, %mul3A_179 : i32
      %add3A_181 = arith.addi %mul3A_2, %mul3A_180 : i32
      %dma_start3A_182 = arith.constant 0 : i32
      %dma_start3A_183 = tpu.memref_slice %arg4[%add3A_181, %dma_start3A_182] : memref<204800x128xf32, #tpu.memory_space<hbm>> -> memref<80x128xf32, #tpu.memory_space<hbm>>
      %dma_start3A_184 = arith.constant 0 : i32
      %dma_start3A_185 = tpu.memref_slice %arg4[%add3A_181, %dma_start3A_184] : memref<204800x128xf32, #tpu.memory_space<hbm>> -> memref<80x128xf32, #tpu.memory_space<hbm>>
      tpu.enqueue_dma source(%arg11 : memref<80x128xf32, #tpu.memory_space<vmem>>) target(%dma_start3A_185 : memref<80x128xf32, #tpu.memory_space<hbm>>) target_semaphore(%arg27 : memref<!tpu.dma_semaphore, #tpu.memory_space<semaphore_mem>>)
      %ge3A_186 = arith.constant 4 : i32
      %ge3A_187 = arith.cmpi sge, %add3A_173, %ge3A_186 : i32
      %convert_element_type3A_188 = arith.extui %ge3A_187 : i1 to i32
      %cond3A_189 = arith.constant 0 : i32
      %cond3A_190 = arith.cmpi ne, %convert_element_type3A_188, %cond3A_189 : i32
      scf.if %cond3A_190 {
        %dma_wait3A_250 = arith.constant 0 : i32
        %dma_wait3A_251 = tpu.memref_slice %arg4[%mul3A_2, %dma_wait3A_250] : memref<204800x128xf32, #tpu.memory_space<hbm>> -> memref<80x128xf32, #tpu.memory_space<hbm>>
        %dma_wait3A_252 = arith.constant 0 : i32
        %dma_wait3A_253 = tpu.memref_slice %arg4[%mul3A_2, %dma_wait3A_252] : memref<204800x128xf32, #tpu.memory_space<hbm>> -> memref<80x128xf32, #tpu.memory_space<hbm>>
        tpu.wait_dma2 semaphore(%arg23 : memref<!tpu.dma_semaphore, #tpu.memory_space<semaphore_mem>>) src(%arg7 : memref<80x128xf32, #tpu.memory_space<vmem>>) dst(%dma_wait3A_253 : memref<80x128xf32, #tpu.memory_space<hbm>>)
      } else {
      }
      %add3A_191 = arith.constant 4 : i32
      %add3A_192 = arith.addi %add3A_173, %add3A_191 : i32
      %lt3A_193 = arith.constant 80 : i32
      %lt3A_194 = arith.cmpi slt, %add3A_192, %lt3A_193 : i32
      %convert_element_type3A_195 = arith.extui %lt3A_194 : i1 to i32
      %cond3A_196 = arith.constant 0 : i32
      %cond3A_197 = arith.cmpi ne, %convert_element_type3A_195, %cond3A_196 : i32
      scf.if %cond3A_197 {
        %add3A_250 = arith.constant 4 : i32
        %add3A_251 = arith.addi %add3A_173, %add3A_250 : i32
        %mul3A_252 = arith.constant 80 : i32
        %mul3A_253 = arith.muli %add3A_251, %mul3A_252 : i32
        %dma_start3A_254 = tpu.memref_slice %arg5[%mul3A_253] : memref<6400xi32, #tpu.memory_space<vmem>> -> memref<80xi32, #tpu.memory_space<vmem>>
        %dma_start3A_255 = arith.constant 0 : i32
        %dma_start3A_256 = arith.constant 0 : i32
        %dma_start3A_257 = tpu.memref_slice %arg3[%dma_start3A_255, %dma_start3A_256] : memref<100000x128xf32, #tpu.memory_space<hbm>> -> memref<100000x128xf32, #tpu.memory_space<hbm>>
        tpu.enqueue_indirect_dma source(%dma_start3A_257 : memref<100000x128xf32, #tpu.memory_space<hbm>>) target(%arg7 : memref<80x128xf32, #tpu.memory_space<vmem>>) offsets(%dma_start3A_254 : memref<80xi32, #tpu.memory_space<vmem>>) semaphore(%arg15 : memref<!tpu.dma_semaphore, #tpu.memory_space<semaphore_mem>>)
      } else {
      }
      %add3A_198 = arith.constant 6 : i32
      %add3A_199 = arith.addi %add3A_45, %add3A_198 : i32
      %dma_wait3A_200 = arith.constant 0 : i32
      %dma_wait3A_201 = tpu.memref_slice %arg5[%dma_wait3A_200] : memref<6400xi32, #tpu.memory_space<vmem>> -> memref<80xi32, #tpu.memory_space<vmem>>
      %dma_wait3A_202 = arith.constant 0 : i32
      %dma_wait3A_203 = arith.constant 0 : i32
      %dma_wait3A_204 = tpu.memref_slice %arg3[%dma_wait3A_202, %dma_wait3A_203] : memref<100000x128xf32, #tpu.memory_space<hbm>> -> memref<100000x128xf32, #tpu.memory_space<hbm>>
      tpu.wait_indirect_dma semaphore(%arg20 : memref<!tpu.dma_semaphore, #tpu.memory_space<semaphore_mem>>) src(%dma_wait3A_204 : memref<100000x128xf32, #tpu.memory_space<hbm>>) dst(%arg12 : memref<80x128xf32, #tpu.memory_space<vmem>>)
      %mul3A_205 = arith.constant 80 : i32
      %mul3A_206 = arith.muli %add3A_199, %mul3A_205 : i32
      %add3A_207 = arith.addi %mul3A_2, %mul3A_206 : i32
      %dma_start3A_208 = arith.constant 0 : i32
      %dma_start3A_209 = tpu.memref_slice %arg4[%add3A_207, %dma_start3A_208] : memref<204800x128xf32, #tpu.memory_space<hbm>> -> memref<80x128xf32, #tpu.memory_space<hbm>>
      %dma_start3A_210 = arith.constant 0 : i32
      %dma_start3A_211 = tpu.memref_slice %arg4[%add3A_207, %dma_start3A_210] : memref<204800x128xf32, #tpu.memory_space<hbm>> -> memref<80x128xf32, #tpu.memory_space<hbm>>
      tpu.enqueue_dma source(%arg12 : memref<80x128xf32, #tpu.memory_space<vmem>>) target(%dma_start3A_211 : memref<80x128xf32, #tpu.memory_space<hbm>>) target_semaphore(%arg28 : memref<!tpu.dma_semaphore, #tpu.memory_space<semaphore_mem>>)
      %ge3A_212 = arith.constant 4 : i32
      %ge3A_213 = arith.cmpi sge, %add3A_199, %ge3A_212 : i32
      %convert_element_type3A_214 = arith.extui %ge3A_213 : i1 to i32
      %cond3A_215 = arith.constant 0 : i32
      %cond3A_216 = arith.cmpi ne, %convert_element_type3A_214, %cond3A_215 : i32
      scf.if %cond3A_216 {
        %dma_wait3A_250 = arith.constant 0 : i32
        %dma_wait3A_251 = tpu.memref_slice %arg4[%mul3A_2, %dma_wait3A_250] : memref<204800x128xf32, #tpu.memory_space<hbm>> -> memref<80x128xf32, #tpu.memory_space<hbm>>
        %dma_wait3A_252 = arith.constant 0 : i32
        %dma_wait3A_253 = tpu.memref_slice %arg4[%mul3A_2, %dma_wait3A_252] : memref<204800x128xf32, #tpu.memory_space<hbm>> -> memref<80x128xf32, #tpu.memory_space<hbm>>
        tpu.wait_dma2 semaphore(%arg24 : memref<!tpu.dma_semaphore, #tpu.memory_space<semaphore_mem>>) src(%arg8 : memref<80x128xf32, #tpu.memory_space<vmem>>) dst(%dma_wait3A_253 : memref<80x128xf32, #tpu.memory_space<hbm>>)
      } else {
      }
      %add3A_217 = arith.constant 4 : i32
      %add3A_218 = arith.addi %add3A_199, %add3A_217 : i32
      %lt3A_219 = arith.constant 80 : i32
      %lt3A_220 = arith.cmpi slt, %add3A_218, %lt3A_219 : i32
      %convert_element_type3A_221 = arith.extui %lt3A_220 : i1 to i32
      %cond3A_222 = arith.constant 0 : i32
      %cond3A_223 = arith.cmpi ne, %convert_element_type3A_221, %cond3A_222 : i32
      scf.if %cond3A_223 {
        %add3A_250 = arith.constant 4 : i32
        %add3A_251 = arith.addi %add3A_199, %add3A_250 : i32
        %mul3A_252 = arith.constant 80 : i32
        %mul3A_253 = arith.muli %add3A_251, %mul3A_252 : i32
        %dma_start3A_254 = tpu.memref_slice %arg5[%mul3A_253] : memref<6400xi32, #tpu.memory_space<vmem>> -> memref<80xi32, #tpu.memory_space<vmem>>
        %dma_start3A_255 = arith.constant 0 : i32
        %dma_start3A_256 = arith.constant 0 : i32
        %dma_start3A_257 = tpu.memref_slice %arg3[%dma_start3A_255, %dma_start3A_256] : memref<100000x128xf32, #tpu.memory_space<hbm>> -> memref<100000x128xf32, #tpu.memory_space<hbm>>
        tpu.enqueue_indirect_dma source(%dma_start3A_257 : memref<100000x128xf32, #tpu.memory_space<hbm>>) target(%arg8 : memref<80x128xf32, #tpu.memory_space<vmem>>) offsets(%dma_start3A_254 : memref<80xi32, #tpu.memory_space<vmem>>) semaphore(%arg16 : memref<!tpu.dma_semaphore, #tpu.memory_space<semaphore_mem>>)
      } else {
      }
      %add3A_224 = arith.constant 7 : i32
      %add3A_225 = arith.addi %add3A_45, %add3A_224 : i32
      %dma_wait3A_226 = arith.constant 0 : i32
      %dma_wait3A_227 = tpu.memref_slice %arg5[%dma_wait3A_226] : memref<6400xi32, #tpu.memory_space<vmem>> -> memref<80xi32, #tpu.memory_space<vmem>>
      %dma_wait3A_228 = arith.constant 0 : i32
      %dma_wait3A_229 = arith.constant 0 : i32
      %dma_wait3A_230 = tpu.memref_slice %arg3[%dma_wait3A_228, %dma_wait3A_229] : memref<100000x128xf32, #tpu.memory_space<hbm>> -> memref<100000x128xf32, #tpu.memory_space<hbm>>
      tpu.wait_indirect_dma semaphore(%arg21 : memref<!tpu.dma_semaphore, #tpu.memory_space<semaphore_mem>>) src(%dma_wait3A_230 : memref<100000x128xf32, #tpu.memory_space<hbm>>) dst(%arg13 : memref<80x128xf32, #tpu.memory_space<vmem>>)
      %mul3A_231 = arith.constant 80 : i32
      %mul3A_232 = arith.muli %add3A_225, %mul3A_231 : i32
      %add3A_233 = arith.addi %mul3A_2, %mul3A_232 : i32
      %dma_start3A_234 = arith.constant 0 : i32
      %dma_start3A_235 = tpu.memref_slice %arg4[%add3A_233, %dma_start3A_234] : memref<204800x128xf32, #tpu.memory_space<hbm>> -> memref<80x128xf32, #tpu.memory_space<hbm>>
      %dma_start3A_236 = arith.constant 0 : i32
      %dma_start3A_237 = tpu.memref_slice %arg4[%add3A_233, %dma_start3A_236] : memref<204800x128xf32, #tpu.memory_space<hbm>> -> memref<80x128xf32, #tpu.memory_space<hbm>>
      tpu.enqueue_dma source(%arg13 : memref<80x128xf32, #tpu.memory_space<vmem>>) target(%dma_start3A_237 : memref<80x128xf32, #tpu.memory_space<hbm>>) target_semaphore(%arg29 : memref<!tpu.dma_semaphore, #tpu.memory_space<semaphore_mem>>)
      %ge3A_238 = arith.constant 4 : i32
      %ge3A_239 = arith.cmpi sge, %add3A_225, %ge3A_238 : i32
      %convert_element_type3A_240 = arith.extui %ge3A_239 : i1 to i32
      %cond3A_241 = arith.constant 0 : i32
      %cond3A_242 = arith.cmpi ne, %convert_element_type3A_240, %cond3A_241 : i32
      scf.if %cond3A_242 {
        %dma_wait3A_250 = arith.constant 0 : i32
        %dma_wait3A_251 = tpu.memref_slice %arg4[%mul3A_2, %dma_wait3A_250] : memref<204800x128xf32, #tpu.memory_space<hbm>> -> memref<80x128xf32, #tpu.memory_space<hbm>>
        %dma_wait3A_252 = arith.constant 0 : i32
        %dma_wait3A_253 = tpu.memref_slice %arg4[%mul3A_2, %dma_wait3A_252] : memref<204800x128xf32, #tpu.memory_space<hbm>> -> memref<80x128xf32, #tpu.memory_space<hbm>>
        tpu.wait_dma2 semaphore(%arg25 : memref<!tpu.dma_semaphore, #tpu.memory_space<semaphore_mem>>) src(%arg9 : memref<80x128xf32, #tpu.memory_space<vmem>>) dst(%dma_wait3A_253 : memref<80x128xf32, #tpu.memory_space<hbm>>)
      } else {
      }
      %add3A_243 = arith.constant 4 : i32
      %add3A_244 = arith.addi %add3A_225, %add3A_243 : i32
      %lt3A_245 = arith.constant 80 : i32
      %lt3A_246 = arith.cmpi slt, %add3A_244, %lt3A_245 : i32
      %convert_element_type3A_247 = arith.extui %lt3A_246 : i1 to i32
      %cond3A_248 = arith.constant 0 : i32
      %cond3A_249 = arith.cmpi ne, %convert_element_type3A_247, %cond3A_248 : i32
      scf.if %cond3A_249 {
        %add3A_250 = arith.constant 4 : i32
        %add3A_251 = arith.addi %add3A_225, %add3A_250 : i32
        %mul3A_252 = arith.constant 80 : i32
        %mul3A_253 = arith.muli %add3A_251, %mul3A_252 : i32
        %dma_start3A_254 = tpu.memref_slice %arg5[%mul3A_253] : memref<6400xi32, #tpu.memory_space<vmem>> -> memref<80xi32, #tpu.memory_space<vmem>>
        %dma_start3A_255 = arith.constant 0 : i32
        %dma_start3A_256 = arith.constant 0 : i32
        %dma_start3A_257 = tpu.memref_slice %arg3[%dma_start3A_255, %dma_start3A_256] : memref<100000x128xf32, #tpu.memory_space<hbm>> -> memref<100000x128xf32, #tpu.memory_space<hbm>>
        tpu.enqueue_indirect_dma source(%dma_start3A_257 : memref<100000x128xf32, #tpu.memory_space<hbm>>) target(%arg9 : memref<80x128xf32, #tpu.memory_space<vmem>>) offsets(%dma_start3A_254 : memref<80xi32, #tpu.memory_space<vmem>>) semaphore(%arg17 : memref<!tpu.dma_semaphore, #tpu.memory_space<semaphore_mem>>)
      } else {
      }
    }
    %scan3A_25 = arith.constant 10 : i32
    %dma_wait3A = arith.constant 0 : i32
    %dma_wait3A_26 = tpu.memref_slice %arg4[%mul3A_2, %dma_wait3A] : memref<204800x128xf32, #tpu.memory_space<hbm>> -> memref<80x128xf32, #tpu.memory_space<hbm>>
    %dma_wait3A_27 = arith.constant 0 : i32
    %dma_wait3A_28 = tpu.memref_slice %arg4[%mul3A_2, %dma_wait3A_27] : memref<204800x128xf32, #tpu.memory_space<hbm>> -> memref<80x128xf32, #tpu.memory_space<hbm>>
    tpu.wait_dma2 semaphore(%arg26 : memref<!tpu.dma_semaphore, #tpu.memory_space<semaphore_mem>>) src(%arg10 : memref<80x128xf32, #tpu.memory_space<vmem>>) dst(%dma_wait3A_28 : memref<80x128xf32, #tpu.memory_space<hbm>>)
    %dma_wait3A_29 = arith.constant 0 : i32
    %dma_wait3A_30 = tpu.memref_slice %arg4[%mul3A_2, %dma_wait3A_29] : memref<204800x128xf32, #tpu.memory_space<hbm>> -> memref<80x128xf32, #tpu.memory_space<hbm>>
    %dma_wait3A_31 = arith.constant 0 : i32
    %dma_wait3A_32 = tpu.memref_slice %arg4[%mul3A_2, %dma_wait3A_31] : memref<204800x128xf32, #tpu.memory_space<hbm>> -> memref<80x128xf32, #tpu.memory_space<hbm>>
    tpu.wait_dma2 semaphore(%arg27 : memref<!tpu.dma_semaphore, #tpu.memory_space<semaphore_mem>>) src(%arg11 : memref<80x128xf32, #tpu.memory_space<vmem>>) dst(%dma_wait3A_32 : memref<80x128xf32, #tpu.memory_space<hbm>>)
    %dma_wait3A_33 = arith.constant 0 : i32
    %dma_wait3A_34 = tpu.memref_slice %arg4[%mul3A_2, %dma_wait3A_33] : memref<204800x128xf32, #tpu.memory_space<hbm>> -> memref<80x128xf32, #tpu.memory_space<hbm>>
    %dma_wait3A_35 = arith.constant 0 : i32
    %dma_wait3A_36 = tpu.memref_slice %arg4[%mul3A_2, %dma_wait3A_35] : memref<204800x128xf32, #tpu.memory_space<hbm>> -> memref<80x128xf32, #tpu.memory_space<hbm>>
    tpu.wait_dma2 semaphore(%arg28 : memref<!tpu.dma_semaphore, #tpu.memory_space<semaphore_mem>>) src(%arg12 : memref<80x128xf32, #tpu.memory_space<vmem>>) dst(%dma_wait3A_36 : memref<80x128xf32, #tpu.memory_space<hbm>>)
    %dma_wait3A_37 = arith.constant 0 : i32
    %dma_wait3A_38 = tpu.memref_slice %arg4[%mul3A_2, %dma_wait3A_37] : memref<204800x128xf32, #tpu.memory_space<hbm>> -> memref<80x128xf32, #tpu.memory_space<hbm>>
    %dma_wait3A_39 = arith.constant 0 : i32
    %dma_wait3A_40 = tpu.memref_slice %arg4[%mul3A_2, %dma_wait3A_39] : memref<204800x128xf32, #tpu.memory_space<hbm>> -> memref<80x128xf32, #tpu.memory_space<hbm>>
    tpu.wait_dma2 semaphore(%arg29 : memref<!tpu.dma_semaphore, #tpu.memory_space<semaphore_mem>>) src(%arg13 : memref<80x128xf32, #tpu.memory_space<vmem>>) dst(%dma_wait3A_40 : memref<80x128xf32, #tpu.memory_space<hbm>>)
    return
  }
}

</mosaic_0001>

<sc_bundles>
// kernel: kernel.3.cloned.1.call-start
scs
__scs_entry_jumppad:
0x0: {  	(pc) =	sbr.rel $0x88, $3  }
0x1: {  	(tag) =	ssettag $0x0;
	lr =	simm.s32 $0x1  }
0x2: {  	[smem:$0x3F9F] =	sst lr;
	_ =	strace $0xD0000000  }
0x3: {  	_ = 	snop  }
0x4: {  	_ = 	snop  }
0x5: {  	_ = 	snop  }
0x6: {  	_ = 	snop  }
0x7: {  	_ = 	snop  }
__scs_overlays_trampoline_lowered:
0x8: {  	[smem:$0x3FAE] =	sst s0  }
0x9: {  	[smem:$0x3FAF] =	sst s1  }
0xa: {  	[smem:$0x3FB0] =	sst s2  }
0xb: {  	[smem:$0x3FB1] =	sst s3  }
0xc: {  	[smem:$0x3FB2] =	sst s4  }
0xd: {  	[smem:$0x3FB3] =	sst s5  }
0xe: {  	[smem:$0x3FB4] =	sst s6  }
0xf: {  	[smem:$0x3FB5] =	sst s7  }
0x10: {  	[smem:$0x3FB6] =	sst s8  }
0x11: {  	[smem:$0x3FB7] =	sst s9;
	s0 =	simm.s32 @!p0 $0x0  }
0x12: {  	s1 =	sld [smem:$0x3F9D];
	s0 =	simm.s32 @p0 $0x1  }
0x13: {  	[smem:$0x3FB8] =	sst s0;
	s0 =	simm.s32 @!p1 $0x0  }
0x14: {  	s2 =	sld [smem:$0x3F9C];
	s0 =	simm.s32 @p1 $0x1  }
0x15: {  	[smem:$0x3FB9] =	sst s0;
	s0 =	simm.s32 @!p2 $0x0  }
0x16: {  	s3 =	sld [smem:$0x3FDB];
	s0 =	simm.s32 @p2 $0x1  }
0x17: {  	s4 =	simm.s32 $0x1BF5;
	[smem:$0x3FBB] =	sst s0  }
0x18: {  	s0 =	sld [smem:$0x3F9E];
	_ =	swait.ge [sflag:s4], $0x0  }
0x19: {  	s7 =	sld [smem:$0x3F9F]  }
0x1a: {  	s8 =	sadd.s32 $0xFFFFE003, lr  }
0x1b: {  	s9 =	sadd.s32 $0xFFFFFEF7, lr;
	s5 =	simm.s32 $0xFFFFFFFF;
	p2 =	slt.u32 s8, $0xFFFFF086  }
0x1c: {  	p1 =	slt.u32 s9, $0xF7A;
	s5 =	simm.s32 @!p2 $0x0  }
0x1d: {  	s5 =	simm.s32 @p1 $0x1;
	p0 =	seq.s32 s7, s2  }
0x1e: {  	s7 =	smul.u32 @!p0 $0xF7A, s2;
	p2 =	seq.s32 @!p0 s5, $0x0  }
0x1f: {  	s9 =	smul.u32 $0xF7A, s1;
	s8 =	simm.s32 @!p0 $0x1BF5;
	p2 =	por !p2, p0  }
0x20: {  	[sflag:s8] =	ssyncset.s32 @!p0 $0xFFFFF086;
	s6 =	sadd.s32 @!p0 s3, s7;
	s7 =	simm.s32 @!p0 $0x108  }
0x21: {  	s3 =	sadd.s32 s3, s9;
	s6 =	sadd.s32 @!p0 $0x88, s6;
	s7 =	simm.s32 @p2 $0x1082  }
0x22: {  	[simem:s7], [sflag:s8] =	dma.local @!p0 [hbm:s6], $0xF7A  }
0x23: {  	s9 =	sor.u32 $0xD0000000, s2;
	s6 =	simm.s32 $0x108;
	_ =	swait.ge @!p0 [sflag:s8], $0x0  }
0x24: {  	s3 =	sadd.s32 $0x88, s3;
	s6 =	simm.s32 @!p1 $0x1082;
	[sflag:s4] =	ssyncset.s32 $0xFFFFF086  }
0x25: {  	[simem:s6], [sflag:s4] =	dma.local [hbm:s3], $0xF7A  }
0x26: {  	[smem:$0x3F9F] =	sst s1;
	(tag) =	ssettag s2;
	_ =	strace s9  }
0x27: {  	s1 =	sld [smem:$0x3FAF]  }
0x28: {  	s2 =	sld [smem:$0x3FB0]  }
0x29: {  	s4 =	sld [smem:$0x3FB2]  }
0x2a: {  	p0 =	seq.s32 s5, $0x0;
	s5 =	sld [smem:$0x3FB3]  }
0x2b: {  	s6 =	sld [smem:$0x3FB4]  }
0x2c: {  	s7 =	sld [smem:$0x3FB5]  }
0x2d: {  	s3 =	simm.s32 $0x108;
	s8 =	sld [smem:$0x3FB6]  }
0x2e: {  	s3 =	simm.s32 @!p0 $0x1082;
	s9 =	sld [smem:$0x3FB7]  }
0x2f: {  	lr =	sadd.s32 s0, s3;
	s0 =	sld [smem:$0x3FAE]  }
0x30: {  	s3 =	sld [smem:$0x3FB1]  }
0x31: {  	[smem:$0x3FBA] =	sst s10  }
0x32: {  	s10 =	sld [smem:$0x3FB8];
	_ =	sdelay $0x3  }
0x33: {  	p0 =	seq.s32 s10, $0x1;
	s10 =	sld [smem:$0x3FBA];
	_ =	sdelay $0x3  }
0x34: {  	[smem:$0x3FBA] =	sst s10  }
0x35: {  	s10 =	sld [smem:$0x3FB9];
	_ =	sdelay $0x3  }
0x36: {  	p1 =	seq.s32 s10, $0x1;
	s10 =	sld [smem:$0x3FBA];
	_ =	sdelay $0x3  }
0x37: {  	[smem:$0x3FBA] =	sst s10  }
0x38: {  	s10 =	sld [smem:$0x3FBB]  }
0x39: {  	_ = 	snop;
	(pc) =	sbr.ind lr, $3  }
0x3a: {  	_ = 	snop  }
0x3b: {  	_ = 	snop  }
0x3c: {  	p2 =	seq.s32 s10, $0x1;
	s10 =	sld [smem:$0x3FBA]  }
0x3d: {  	_ =	shalt  }
0x3e: {  	_ =	shalt  }
0x3f: {  	_ =	shalt  }
0x40: {  	_ =	shalt  }
0x41: {  	_ =	shalt  }
0x42: {  	_ =	shalt  }
0x43: {  	_ =	shalt  }
0x44: {  	_ =	shalt  }
0x45: {  	_ =	shalt  }
0x46: {  	_ =	shalt  }
0x47: {  	_ =	shalt  }
0x48: {  	_ =	shalt  }
0x49: {  	_ =	shalt  }
0x4a: {  	_ =	shalt  }
0x4b: {  	_ =	shalt  }
0x4c: {  	_ =	shalt  }
0x4d: {  	_ =	shalt  }
0x4e: {  	_ =	shalt  }
0x4f: {  	_ =	shalt  }
0x50: {  	_ =	shalt  }
0x51: {  	_ =	shalt  }
0x52: {  	_ =	shalt  }
0x53: {  	_ =	shalt  }
0x54: {  	_ =	shalt  }
0x55: {  	_ =	shalt  }
0x56: {  	_ =	shalt  }
0x57: {  	_ =	shalt  }
0x58: {  	_ =	shalt  }
0x59: {  	_ =	shalt  }
0x5a: {  	_ =	shalt  }
0x5b: {  	_ =	shalt  }
0x5c: {  	_ =	shalt  }
0x5d: {  	_ =	shalt  }
0x5e: {  	_ =	shalt  }
0x5f: {  	_ =	shalt  }
0x60: {  	_ =	shalt  }
0x61: {  	_ =	shalt  }
0x62: {  	_ =	shalt  }
0x63: {  	_ =	shalt  }
0x64: {  	_ =	shalt  }
0x65: {  	_ =	shalt  }
0x66: {  	_ =	shalt  }
0x67: {  	_ =	shalt  }
0x68: {  	_ =	shalt  }
0x69: {  	_ =	shalt  }
0x6a: {  	_ =	shalt  }
0x6b: {  	_ =	shalt  }
0x6c: {  	_ =	shalt  }
0x6d: {  	_ =	shalt  }
0x6e: {  	_ =	shalt  }
0x6f: {  	_ =	shalt  }
0x70: {  	_ =	shalt  }
0x71: {  	_ =	shalt  }
0x72: {  	_ =	shalt  }
0x73: {  	_ =	shalt  }
0x74: {  	_ =	shalt  }
0x75: {  	_ =	shalt  }
0x76: {  	_ =	shalt  }
0x77: {  	_ =	shalt  }
0x78: {  	_ =	shalt  }
0x79: {  	_ =	shalt  }
0x7a: {  	_ =	shalt  }
0x7b: {  	_ =	shalt  }
0x7c: {  	_ =	shalt  }
0x7d: {  	_ =	shalt  }
0x7e: {  	_ =	shalt  }
0x7f: {  	_ =	shalt  }
0x80: {  	_ =	shalt  }
0x81: {  	_ =	shalt  }
0x82: {  	_ =	shalt  }
0x83: {  	_ =	shalt  }
0x84: {  	_ =	shalt  }
0x85: {  	_ =	shalt  }
0x86: {  	_ =	shalt  }
0x87: {  	_ =	shalt  }
.Lfunc_end0:
.L_simem_size_0:
called_computation_lowered:
.L_overlay_start_0:
0x88: {  	s2 =	sld [smem:$0x3FD9]  }
0x89: {  	s3 =	sld [smem:$0x3FFE];
	_ =	sdelay $0x1  }
0x8a: {  	s1 =	srdreg.scid  }
0x8b: {  	s0 =	sand.u32 $0x1, s1  }
0x8c: {  	s17 =	sshll.u32 s0, $0xA;
	s2 =	sadd.s32 s3, s2  }
0x8d: {  	s2 =	sadd.s32 s2, s17  }
0x8e: {  	[smem:$0x3FC6] =	sst s2  }
0x8f: {  	_ = 	snop  }
0x90: {  	s2 =	sld [smem:$0x3FC8]  }
0x91: {  	s18 =	sld [smem:$0x3FD0];
	(tm) =	ssettm $0x1  }
0x92: {  	s4 =	sld [smem:$0x3FFB];
	_ =	sdelay $0x3  }
0x93: {  	_ =	strace s4  }
0x94: {  	s4 =	sld [smem:$0x3FFC];
	_ =	sdelay $0x3  }
0x95: {  	_ =	strace s4  }
0x96: {  	s4 =	sld [smem:$0x3FFD];
	_ =	sdelay $0x3  }
0x97: {  	_ =	strace s4  }
0x98: {  	_ =	strace $0x8FFFFFFF  }
0x99: {  	s19 =	sld [smem:$0x3FDB];
	_ =	sdelay $0x1  }
0x9a: {  	s5 =	simm.s32 $_scs_section_size  }
0x9b: {  	s6 =	simm.s32 $_size__tile_overlayer_lowered;
	s7 =	simm.s32 $_tile_overlayer_lowered  }
0x9c: {  	s22 =	simm.s32 $0x1BFF;
	s21 =	sshll.u32 s7, $0x1;
	s4 =	sadd.s32 s5, s19  }
0x9d: {  	s8 =	simm.s32 $0x0;
	s20 =	sshll.u32 s6, $0x1;
	s6 =	sadd.s32 s21, s4  }
0x9e: {  	[timem:s8], [sflag:s22] =	dma.local [hbm:s6], s20  }
0x9f: {  	_ =	swait.ge [sflag:s22], s20  }
0xa0: {  	s5 =	ssub.s32 $0x0, s20;
	[sflag:s22] =	ssyncset.done $0x0  }
0xa1: {  	[sflag:s22] =	ssyncadd.s32 s5;
	_ =	sdelay $0x1  }
0xa2: {  	s23 =	simm.s32 $0x1B8B  }
0xa3: {  	_ =	swait.ge [sflag:s23], $0x1  }
0xa4: {  	[sflag:s23] =	ssyncset.done $0x0  }
0xa5: {  	s25 =	simm.s32 $0x1B8E;
	s24 =	sld [smem:$0x3FFE];
	[sflag:s23] =	ssyncadd.s32 $0xFFFFFFFF  }
0xa6: {  	s26 =	simm.s32 $execute0_lowered;
	[smem:$0x3FD2] =	sst s25  }
0xa7: {  	s6 =	sshll.u32 s26, $0x1;
	_ =	strace $0x80000046;
	[dreg:$0x1] =	wrdreg $0xFFFFFFFF  }
0xa8: {  	s28 =	simm.s32 $_size_execute0_lowered;
	s4 =	sadd.s32 s4, s6;
	[dreg:$0x0] =	wrdreg $0x0  }
0xa9: {  	s6 =	sshll.u32 s28, $0x1;
	[dreg:$0x2] =	wrdreg s4  }
0xaa: {  	[dreg:$0x3] =	wrdreg s6  }
0xab: {  	[dreg:$0x4] =	wrdreg $0xC0  }
0xac: {  	_ =	task [dreg:s8], $0x5FFFF  }
0xad: {  	[dreg:$0x1] =	wrdreg $0xFFFFFFFF  }
0xae: {  	[dreg:$0x0] =	wrdreg $0x60  }
0xaf: {  	[dreg:$0x2] =	wrdreg s24  }
0xb0: {  	[dreg:$0x3] =	wrdreg s2  }
0xb1: {  	[dreg:$0x4] =	wrdreg s18  }
0xb2: {  	[dreg:$0x5] =	wrdreg $0x9  }
0xb3: {  	_ =	task.clear_ibuf [dreg:s8], $0x6FFFF;
	_ =	strace $0x90000046  }
0xb4: {  	s29 =	simm.s32 $0x9;
	_ =	strace $0x80000048  }
0xb5: {  	_ =	swait.ge [sflag:s29], $0x1  }
0xb6: {  	[sflag:s29] =	ssyncadd.s32 $0xFFFFFFFF  }
0xb7: {  	_ =	strace $0x90000048  }
0xb8: {  	_ =	sfence  }
0xb9: {  	s30 =	sld [smem:$0x0];
	_ =	sdelay $0x2  }
0xba: {  	s31 =	sshll.u32 s1, $0xD;
	s1 =	sshrl.u32 s1, $0x2  }
0xbb: {  	s3 =	sand.u32 $0x4000, s31;
	s1 =	sadd.s32 s1, s30  }
0xbc: {  	s0 =	sor.u32 s3, s0;
	s1 =	sshll.u32 s1, $0x11  }
0xbd: {  	s0 =	sor.u32 s1, s0  }
0xbe: {  	s0 =	sadd.s32 $0x8F2B, s0  }
0xbf: {  	[sflag:s0] =	ssyncadd.remote.s32 $0x1  }
0xc0: {  	_ =	sfence.sel $0xFFFF  }
0xc1: {  	[dreg:$0x0] =	wrdreg $0xFFFFFFFF;
	(pc) =	sbr.abs _section_cstart, $3  }
0xc2: {  	[dreg:$0x1] =	wrdreg $0xFFFFFFFF  }
0xc3: {  	_ =	task.clear_ibuf [dreg:s8], $0x2FFFF;
	_ =	strace $0x9FFFFFFF  }
0xc4: {  	(tm) =	ssettm $0x7FFFFFFF  }
0xc5: {  	_ =	shalt  }
tec
execute0_lowered:
.L_overlay_start_1:
0x0: {  	(tag) =	ssettag $0x1  }
0x1: {  	s0 =	rddreg [dreg:$0x0]  }
0x2: {  	s2 =	rddreg [dreg:$0x1]  }
0x3: {  	s1 =	rddreg [dreg:$0x2]  }
0x4: {  	s3 =	srdreg.scid;
	s8 =	stileid.u32  }
0x5: {  	s10 =	simm.s32 $0x50;
	s11 =	simm.s32 $0x1900;
	s12 =	simm.s32 $0x4100  }
0x6: {  	s14 =	simm.s32 $0x6900;
	s16 =	simm.s32 $0x9100;
	s17 =	simm.s32 $0x1  }
0x7: {  	s18 =	simm.s32 $0xB900;
	s19 =	simm.s32 $0x2;
	s20 =	simm.s32 $0xE100  }
0x8: {  	s21 =	simm.s32 $0x3;
	s28 =	simm.s32 $0x6;
	s29 =	simm.s32 $0xA  }
0x9: {  	s30 =	simm.s32 $0x7;
	s31 =	simm.s32 $0xB;
	s4 =	sand.u32 $0x1, s3  }
0xa: {  	s5 =	sshrl.u32 s8, $0x2;
	s6 =	sshll.u32 s8, $0x8;
	s7 =	sshll.u32 s4, $0x7  }
0xb: {  	s3 =	simm.s32 $0x0;
	s5 =	smul.u32 $0xC800, s5;
	s6 =	sor.u32 s7, s6  }
0xc: {  	s23 =	smul.u32 $0x32000, s8;
	[smem:$0x7FF] =	sst s3;
	s6 =	sand.u32 $0x380, s6  }
0xd: {  	s22 =	ssub.s32 $0x2, s4;
	s4 =	smul.u32 $0x19000, s4;
	s5 =	sor.u32 s5, s6  }
0xe: {  	_ =	strace $0x80000047;
	s24 =	sshrl.u32 s22, $0x1;
	s5 =	sshrl.u32 s5, $0x3  }
0xf: {  	s25 =	sadd.s32 s23, s1;
	s23 =	simm.s32 $0x4;
	s0 =	sadd.s32 s5, s0  }
.Ltmp0:
0x10: {  	s5 =	ssub.s32 s22, s24;
	s0 =	sadd.s32 $0x400, s0;
	(pc) =	sbr.rel .LBB2_1-.Ltmp0, $4  }
0x11: {  	s1 =	simm.s32 $0xC;
	s26 =	smax.u32 s5, $0x1;
	[dreg:$0x4] =	wrdreg s0  }
0x12: {  	s22 =	simm.s32 $0x10900;
	s24 =	simm.s32 $0x13100;
	[dreg:$0x5] =	wrdreg s26  }
0x13: {  	s0 =	sadd.s32 s4, s25;
	s25 =	simm.s32 $0x5;
	s26 =	simm.s32 $0x9  }
0x14: {  	s4 =	simm.s32 $0x0;
	[dreg:$0x6] =	wrdreg s0;
	s0 =	simm.s32 $0x8  }
.LBB2_4:
0x15: {  	s5 =	simm.s32 $0xD  }
0x16: {  	_ =	swait.ge [sflag:s5], $0x2800  }
0x17: {  	[sflag:s5] =	ssyncset.done $0x0  }
0x18: {  	s9 =	simm.s32 $0xE;
	[sflag:s5] =	ssyncadd.s32 $0xFFFFD800  }
0x19: {  	_ =	swait.ge [sflag:s9], $0x2800  }
0x1a: {  	[sflag:s9] =	ssyncset.done $0x0  }
0x1b: {  	s13 =	simm.s32 $0xF;
	[sflag:s9] =	ssyncadd.s32 $0xFFFFD800  }
0x1c: {  	_ =	swait.ge [sflag:s13], $0x2800  }
0x1d: {  	[sflag:s13] =	ssyncset.done $0x0  }
0x1e: {  	s6 =	simm.s32 $0x10;
	[sflag:s13] =	ssyncadd.s32 $0xFFFFD800  }
0x1f: {  	_ =	swait.ge [sflag:s6], $0x2800  }
0x20: {  	s4 =	sadd.s32 $0x1, s4;
	s15 =	rddreg [dreg:$0x5]  }
0x21: {  	p0 =	sne.s32 s4, s15  }
.Ltmp1:
0x22: {  	_ = 	snop;
	(pc) =	sbr.rel @!p0 .LBB2_5-.Ltmp1, $3  }
0x23: {  	_ =	sdelay $0x1  }
0x24: {  	[sflag:s6] =	ssyncset.done $0x0  }
0x25: {  	[sflag:s6] =	ssyncadd.s32 $0xFFFFD800  }
.LBB2_1:
0x26: {  	s5 =	rddreg [dreg:$0x4]  }
0x27: {  	s6 =	simm.s32 $0x80;
	s7 =	simm.s32 $0x400;
	s9 =	simm.s32 $0x11  }
0x28: {  	[tilespmem:s3], [sflag:$0x11] =	stream.strided.gather [hbm4b:s5+s6], $0x1900, s7, s6, $0x38;
	[tilespmem:$0x15900] =	vst v63  }
0x29: {  	_ =	swait.ge [sflag:s9], $0x1900  }
0x2a: {  	[sflag:s9] =	ssyncset.done $0x0  }
0x2b: {  	[sflag:s9] =	ssyncadd.s32 $0xFFFFE700  }
0x2c: {  	[tilespmem:s11], [sflag:$0x1] =	stream.indirect.gather [hbm4b:s2+s10], $0x80, s3, s10, $0xb8;
	[tilespmem:$0x15900] =	vst v63  }
0x2d: {  	_ = 	snop  }
0x2e: {  	[tilespmem:s12], [sflag:$0x2] =	stream.indirect.gather [hbm4b:s2+s10], $0x80, s10, s10, $0xb8;
	[tilespmem:$0x15900] =	vst v63  }
0x2f: {  	s13 =	simm.s32 $0xA0  }
0x30: {  	[tilespmem:s14], [sflag:$0x3] =	stream.indirect.gather [hbm4b:s2+s10], $0x80, s13, s10, $0xb8;
	[tilespmem:$0x15900] =	vst v63  }
0x31: {  	s15 =	simm.s32 $0xF0;
	s5 =	simm.s32 $0x0;
	s6 =	rddreg [dreg:$0x6]  }
0x32: {  	[tilespmem:s16], [sflag:$0x4] =	stream.indirect.gather [hbm4b:s2+s10], $0x80, s15, s10, $0xb8;
	[tilespmem:$0x15900] =	vst v63  }
.LBB2_2:
0x33: {  	_ =	swait.ge [sflag:s17], $0x2800  }
0x34: {  	p0 =	seq.s32 s5, $0x0;
	[sflag:s17] =	ssyncset.done $0x0  }
0x35: {  	s7 =	simm.s32 @!p0 $0xD;
	[sflag:s17] =	ssyncadd.s32 $0xFFFFD800  }
0x36: {  	[hbm4b:s6+s3] =	stream.linear.scatter [tilespmem:s11], [sflag:$0x9], $0x2800, $0x38;
	[tilespmem:$0x15900] =	vst v63  }
0x37: {  	_ =	swait.ge @!p0 [sflag:s7], $0x2800  }
0x38: {  	s9 =	sshra.s32 s5, $0x2;
	[sflag:s7] =	ssyncset.done @!p0 $0x0  }
0x39: {  	s8 =	sadd.s32 $0x140, s9;
	[sflag:s7] =	ssyncadd.s32 @!p0 $0xFFFFD800  }
0x3a: {  	[tilespmem:s18], [sflag:$0x5] =	stream.indirect.gather [hbm4b:s2+s10], $0x80, s8, s10, $0xb8;
	[tilespmem:$0x15900] =	vst v63  }
0x3b: {  	_ =	swait.ge [sflag:s19], $0x2800  }
0x3c: {  	[sflag:s19] =	ssyncset.done $0x0  }
0x3d: {  	s13 =	sadd.s32 $0x500, s6;
	s7 =	simm.s32 @!p0 $0xE;
	[sflag:s19] =	ssyncadd.s32 $0xFFFFD800  }
0x3e: {  	[hbm4b:s13+s3] =	stream.linear.scatter [tilespmem:s12], [sflag:$0xA], $0x2800, $0x38;
	[tilespmem:$0x15900] =	vst v63  }
0x3f: {  	_ =	swait.ge @!p0 [sflag:s7], $0x2800  }
0x40: {  	[sflag:s7] =	ssyncset.done @!p0 $0x0  }
0x41: {  	s15 =	sadd.s32 $0x190, s9;
	[sflag:s7] =	ssyncadd.s32 @!p0 $0xFFFFD800  }
0x42: {  	[tilespmem:s20], [sflag:$0x6] =	stream.indirect.gather [hbm4b:s2+s10], $0x80, s15, s10, $0xb8;
	[tilespmem:$0x15900] =	vst v63  }
0x43: {  	_ =	swait.ge [sflag:s21], $0x2800  }
0x44: {  	[sflag:s21] =	ssyncset.done $0x0  }
0x45: {  	s8 =	sadd.s32 $0xA00, s6;
	s7 =	simm.s32 @!p0 $0xF;
	[sflag:s21] =	ssyncadd.s32 $0xFFFFD800  }
0x46: {  	[hbm4b:s8+s3] =	stream.linear.scatter [tilespmem:s14], [sflag:$0xB], $0x2800, $0x38;
	[tilespmem:$0x15900] =	vst v63  }
0x47: {  	_ =	swait.ge @!p0 [sflag:s7], $0x2800  }
0x48: {  	[sflag:s7] =	ssyncset.done @!p0 $0x0  }
0x49: {  	s13 =	sadd.s32 $0x1E0, s9;
	[sflag:s7] =	ssyncadd.s32 @!p0 $0xFFFFD800  }
0x4a: {  	[tilespmem:s22], [sflag:$0x7] =	stream.indirect.gather [hbm4b:s2+s10], $0x80, s13, s10, $0xb8;
	[tilespmem:$0x15900] =	vst v63  }
0x4b: {  	_ =	swait.ge [sflag:s23], $0x2800  }
0x4c: {  	[sflag:s23] =	ssyncset.done $0x0  }
0x4d: {  	s15 =	sadd.s32 $0xF00, s6;
	s7 =	simm.s32 @!p0 $0x10;
	[sflag:s23] =	ssyncadd.s32 $0xFFFFD800  }
0x4e: {  	[hbm4b:s15+s3] =	stream.linear.scatter [tilespmem:s16], [sflag:$0xC], $0x2800, $0x38;
	[tilespmem:$0x15900] =	vst v63  }
0x4f: {  	_ =	swait.ge @!p0 [sflag:s7], $0x2800  }
0x50: {  	[sflag:s7] =	ssyncset.done @!p0 $0x0  }
0x51: {  	s8 =	sadd.s32 $0x230, s9;
	[sflag:s7] =	ssyncadd.s32 @!p0 $0xFFFFD800  }
0x52: {  	[tilespmem:s24], [sflag:$0x8] =	stream.indirect.gather [hbm4b:s2+s10], $0x80, s8, s10, $0xb8;
	[tilespmem:$0x15900] =	vst v63  }
0x53: {  	_ =	swait.ge [sflag:s25], $0x2800  }
0x54: {  	[sflag:s25] =	ssyncset.done $0x0  }
0x55: {  	s13 =	sadd.s32 $0x1400, s6;
	[sflag:s25] =	ssyncadd.s32 $0xFFFFD800  }
0x56: {  	[hbm4b:s13+s3] =	stream.linear.scatter [tilespmem:s18], [sflag:$0xD], $0x2800, $0x38;
	[tilespmem:$0x15900] =	vst v63  }
0x57: {  	p0 =	seq.s32 s5, $0x5A00;
	_ =	swait.ge [sflag:s26], $0x2800  }
0x58: {  	s7 =	sshra.s32 @!p0 s5, $0x2;
	s15 =	simm.s32 @!p0 $0x1900;
	[sflag:s26] =	ssyncset.done $0x0  }
0x59: {  	s8 =	sadd.s32 @!p0 $0x280, s7;
	s13 =	simm.s32 @!p0 $0x50;
	[sflag:s26] =	ssyncadd.s32 $0xFFFFD800  }
0x5a: {  	[tilespmem:s15], [sflag:$0x1] =	stream.indirect.gather @!p0 [hbm4b:s2+s13], $0x80, s8, s13, $0xb8;
	[tilespmem:$0x15900] =	vst v63  }
0x5b: {  	_ =	swait.ge [sflag:s28], $0x2800  }
0x5c: {  	[sflag:s28] =	ssyncset.done $0x0  }
0x5d: {  	s15 =	sadd.s32 $0x1900, s6;
	[sflag:s28] =	ssyncadd.s32 $0xFFFFD800  }
0x5e: {  	[hbm4b:s15+s3] =	stream.linear.scatter [tilespmem:s20], [sflag:$0xE], $0x2800, $0x38;
	[tilespmem:$0x15900] =	vst v63  }
0x5f: {  	_ =	swait.ge [sflag:s29], $0x2800  }
0x60: {  	[sflag:s29] =	ssyncset.done $0x0  }
0x61: {  	s8 =	sadd.s32 @!p0 $0x2D0, s7;
	s15 =	simm.s32 @!p0 $0x4100;
	[sflag:s29] =	ssyncadd.s32 $0xFFFFD800  }
0x62: {  	[tilespmem:s15], [sflag:$0x2] =	stream.indirect.gather @!p0 [hbm4b:s2+s13], $0x80, s8, s13, $0xb8;
	[tilespmem:$0x15900] =	vst v63  }
0x63: {  	_ =	swait.ge [sflag:s30], $0x2800  }
0x64: {  	[sflag:s30] =	ssyncset.done $0x0  }
0x65: {  	s15 =	sadd.s32 $0x1E00, s6;
	[sflag:s30] =	ssyncadd.s32 $0xFFFFD800  }
0x66: {  	[hbm4b:s15+s3] =	stream.linear.scatter [tilespmem:s22], [sflag:$0xF], $0x2800, $0x38;
	[tilespmem:$0x15900] =	vst v63  }
0x67: {  	_ =	swait.ge [sflag:s31], $0x2800  }
0x68: {  	[sflag:s31] =	ssyncset.done $0x0  }
0x69: {  	s7 =	sadd.s32 @!p0 $0x320, s7;
	s8 =	simm.s32 @!p0 $0x6900;
	[sflag:s31] =	ssyncadd.s32 $0xFFFFD800  }
0x6a: {  	[tilespmem:s8], [sflag:$0x3] =	stream.indirect.gather @!p0 [hbm4b:s2+s13], $0x80, s7, s13, $0xb8;
	[tilespmem:$0x15900] =	vst v63  }
0x6b: {  	_ =	swait.ge [sflag:s0], $0x2800  }
0x6c: {  	[sflag:s0] =	ssyncset.done $0x0  }
.Ltmp2:
0x6d: {  	s15 =	sadd.s32 $0x2300, s6;
	[sflag:s0] =	ssyncadd.s32 $0xFFFFD800;
	(pc) =	sbr.rel @p0 .LBB2_4-.Ltmp2, $4  }
0x6e: {  	[hbm4b:s15+s3] =	stream.linear.scatter [tilespmem:s24], [sflag:$0x10], $0x2800, $0x38;
	[tilespmem:$0x15900] =	vst v63  }
0x6f: {  	_ =	swait.ge [sflag:s1], $0x2800  }
0x70: {  	[sflag:s1] =	ssyncset.done $0x0  }
0x71: {  	[sflag:s1] =	ssyncadd.s32 $0xFFFFD800  }
.Ltmp3:
0x72: {  	(pc) =	sbr.rel .LBB2_2-.Ltmp3, $3  }
0x73: {  	_ =	sdelay $0x1  }
0x74: {  	s7 =	sadd.s32 $0x370, s9;
	s5 =	sadd.s32 $0xA00, s5;
	s6 =	sadd.s32 $0x2800, s6  }
0x75: {  	[tilespmem:s16], [sflag:$0x4] =	stream.indirect.gather [hbm4b:s2+s10], $0x80, s7, s10, $0xb8;
	[tilespmem:$0x15900] =	vst v63  }
.LBB2_5:
0x76: {  	_ =	sfence.sel $0x180000  }
0x77: {  	[bflag:$0x0] =	sbarrier.arrive $0xFFFF  }
0x78: {  	_ =	strace $0x90000047  }
0x79: {  	s0 =	stileid.u32;
	[bflag:$0x2] =	sbarrier.arrive $0xFFFF  }
0x7a: {  	p0 =	sne.s32 s0, $0x0;
	s0 =	rddreg [dreg:$0x3]  }
0x7b: {  	s0 =	sadd.s32 @!p0 $0x100000, s0  }
0x7c: {  	[sflag:s0] =	ssyncadd.tile.s32 @!p0 $0x1;
	_ =	shalt  }
.Lfunc_end2:
_tile_overlayer_lowered:
.L_overlay_start_2:
0x7d: {  	(tag) =	ssettag $0x2  }
0x7e: {  	s0 =	rddreg [dreg:$0x0];
	s2 =	stileid.u32  }
0x7f: {  	s1 =	rddreg [dreg:$0x1];
	p0 =	sne.s32 s2, $0x0  }
0x80: {  	s3 =	rddreg [dreg:$0x2];
	[bflag:$0x3] =	sbarrier.arrive $0xFFFF;
	s2 =	simm.s32 @!p0 $0x1C11  }
0x81: {  	[timem:s3], [sflag:s2] =	dma.local @!p0 [hbm:s0], s1  }
0x82: {  	s0 =	simm.s32 @!p0 $0x11  }
0x83: {  	_ =	swait.ge @!p0 [sflag:s0], s1  }
0x84: {  	s1 =	ssub.s32 @!p0 $0x0, s1;
	[sflag:s0] =	ssyncset.done @!p0 $0x0  }
0x85: {  	[sflag:s0] =	ssyncadd.s32 @!p0 s1  }
0x86: {  	[bflag:$0x3] =	sbarrier.arrive $0xFFFF  }
0x87: {  	_ =	shalt  }

</sc_bundles>
